<compile_context>
chip_gen: v7x
topology: tpu7x:2x2x1
jax: 0.10.2.dev20260603
libtpu: 0.0.44.dev20260713+nightly
codegen_flags: <defaults>
</compile_context>

<pallas_src>
import functools

import jax
import jax.numpy as jnp
from jax import lax
from jax.experimental import pallas as pl
from jax.experimental.pallas import tpu as pltpu
from jax.experimental.pallas import tpu_sc as plsc

N_PAT = 10000
N_GEN = 10000
E = 320000
H = 128
O = 64

NC, NS = 2, 16
NW = NC * NS
BATCH = 128
NB = 79
E_PAD = NW * NB * BATCH
AGG_ROWS = 10240
ZROWS = AGG_ROWS // NS

ROW_BLK = 1000


def _mlp_body(x_ref, w1_ref, b1_ref, w2_ref, b2_ref, o_ref):
    h = jnp.dot(x_ref[...], w1_ref[...].T, preferred_element_type=jnp.float32)
    h = jnp.maximum(h + b1_ref[0], 0.0)
    o = jnp.dot(h, w2_ref[...].T, preferred_element_type=jnp.float32)
    o_ref[...] = o + b2_ref[0]


def _mlp(x, w1, b1, w2, b2):
    n = x.shape[0]
    wfull = lambda i: (0, 0)
    return pl.pallas_call(
        _mlp_body,
        grid=(n // ROW_BLK,),
        in_specs=[
            pl.BlockSpec((ROW_BLK, H), lambda i: (i, 0)),
            pl.BlockSpec((H, H), wfull),
            pl.BlockSpec((1, H), wfull),
            pl.BlockSpec((H, H), wfull),
            pl.BlockSpec((1, H), wfull),
        ],
        out_specs=pl.BlockSpec((ROW_BLK, H), lambda i: (i, 0)),
        out_shape=jax.ShapeDtypeStruct((n, H), jnp.float32),
    )(x, w1, b1.reshape(1, H), w2, b2.reshape(1, H))


GB = 64
NSUB = 2 * NB


def _sc_agg_body(gx, zeros, idx3, out, idx_v, rows_v, agg_sh,
                 sem0, sem1):
    sems = (sem0, sem1)
    c = lax.axis_index("c")
    s = lax.axis_index("s")
    t = s * NC + c

    pltpu.sync_copy(zeros.at[pl.ds(s * ZROWS, ZROWS)],
                    agg_sh.at[pl.ds(s * ZROWS, ZROWS)])
    pltpu.sync_copy(idx3.at[t], idx_v)
    plsc.subcore_barrier()

    def _ssrc(u):
        return idx_v.at[lax.div(u, 2), 0, pl.ds(lax.rem(u, 2) * GB, GB)]

    def _sdst(u):
        return idx_v.at[lax.div(u, 2), 1, pl.ds(lax.rem(u, 2) * GB, GB)]

    def _start(b, u):
        pltpu.async_copy(gx.at[_ssrc(u)], rows_v.at[b], sems[b])

    def _wait(b):
        pltpu.make_async_copy(gx.at[idx_v.at[0, 0, pl.ds(0, GB)]],
                              rows_v.at[b], sems[b]).wait()

    _start(0, 0)
    _start(1, 1)

    def body(g, carry):
        for b in range(2):
            u = g * 2 + b
            _wait(b)
            pltpu.sync_copy(rows_v.at[b], agg_sh.at[_sdst(u)], add=True)

            @pl.when(u + 2 < NSUB)
            def _():
                _start(b, u + 2)
        return carry

    lax.fori_loop(0, NSUB // 2, body, 0)
    plsc.subcore_barrier()

    pltpu.sync_copy(agg_sh.at[pl.ds(s * ZROWS, ZROWS)],
                    out.at[c].at[pl.ds(s * ZROWS, ZROWS)])


@functools.cache
def _make_sc_agg():
    return pl.kernel(
        _sc_agg_body,
        out_type=jax.ShapeDtypeStruct((NC, AGG_ROWS, H), jnp.float32),
        mesh=plsc.VectorSubcoreMesh(core_axis_name="c", subcore_axis_name="s",
                                    num_cores=NC, num_subcores=NS),
        scratch_types=[
            pltpu.VMEM((NB, 2, BATCH), jnp.int32),
            pltpu.VMEM((2, GB, H), jnp.float32),
            pltpu.VMEM_SHARED((AGG_ROWS, H), jnp.float32),
            pltpu.SemaphoreType.DMA,
            pltpu.SemaphoreType.DMA,
        ],
    )


def _sc_agg(gx, zeros, idx3):
    return _make_sc_agg()(gx, zeros, idx3)


def _tail_body(parts_ref, px0_ref, s1wl_ref, s1bl_ref, s1wr_ref,
               s2wl_ref, s2bl_ref, s2wr_ref, fcw_ref, fcb_ref, o_ref):
    agg = parts_ref[0] + parts_ref[1]
    px0 = px0_ref[...]
    px1 = jnp.dot(agg, s1wl_ref[...].T, preferred_element_type=jnp.float32)
    px1 = px1 + s1bl_ref[0]
    px1 = px1 + jnp.dot(px0, s1wr_ref[...].T, preferred_element_type=jnp.float32)
    px1 = jnp.maximum(px1, 0.0)
    px2 = jnp.dot(agg, s2wl_ref[...].T, preferred_element_type=jnp.float32)
    px2 = px2 + s2bl_ref[0]
    px2 = px2 + jnp.dot(px1, s2wr_ref[...].T, preferred_element_type=jnp.float32)
    px2 = jnp.maximum(px2, 0.0)
    o = jnp.dot(px2, fcw_ref[...].T, preferred_element_type=jnp.float32)
    o_ref[...] = o + fcb_ref[0]


def _tail(parts, px0, s1Wl, s1bl, s1Wr, s2Wl, s2bl, s2Wr, fcW, fcb):
    grid = N_PAT // ROW_BLK
    wfull = lambda i: (0, 0)
    return pl.pallas_call(
        _tail_body,
        grid=(grid,),
        in_specs=[
            pl.BlockSpec((NC, ROW_BLK, H), lambda i: (0, i, 0)),
            pl.BlockSpec((ROW_BLK, H), lambda i: (i, 0)),
            pl.BlockSpec((H, H), wfull),
            pl.BlockSpec((1, H), wfull),
            pl.BlockSpec((H, H), wfull),
            pl.BlockSpec((H, H), wfull),
            pl.BlockSpec((1, H), wfull),
            pl.BlockSpec((H, H), wfull),
            pl.BlockSpec((O, H), wfull),
            pl.BlockSpec((1, O), wfull),
        ],
        out_specs=pl.BlockSpec((ROW_BLK, O), lambda i: (i, 0)),
        out_shape=jax.ShapeDtypeStruct((N_PAT, O), jnp.float32),
    )(parts, px0, s1Wl, s1bl.reshape(1, H), s1Wr,
      s2Wl, s2bl.reshape(1, H), s2Wr, fcW, fcb.reshape(1, O))


def kernel(x_patient, x_gene, edge_index, pW1, pb1, pW2, pb2,
           gW1, gb1, gW2, gb2, s1Wl, s1bl, s1Wr, s2Wl, s2bl, s2Wr, fcW, fcb):
    src = edge_index[0].astype(jnp.int32)
    dst = edge_index[1].astype(jnp.int32)
    pad = E_PAD - E
    src3 = jnp.concatenate([src, jnp.zeros((pad,), jnp.int32)]).reshape(NW, NB, BATCH)
    dst3 = jnp.concatenate([dst, jnp.full((pad,), N_PAT, jnp.int32)]).reshape(NW, NB, BATCH)

    gx = _mlp(x_gene, gW1, gb1, gW2, gb2)
    px0 = _mlp(x_patient, pW1, pb1, pW2, pb2)

    idx3 = jnp.stack([src3, dst3], axis=2)
    zeros = jnp.zeros((AGG_ROWS, H), jnp.float32)
    parts = _sc_agg(gx, zeros, idx3)

    return _tail(parts, px0, s1Wl, s1bl, s1Wr, s2Wl, s2bl, s2Wr, fcW, fcb)

# --- scband reference (transcript-rebuilt; emitter-appended) ---
"""Pipeline reference for scband-patient-gnnsage-19172734009898 (READ-ONLY COPY).

The authoritative reference and input builder live on the scoring server;
editing this copy changes nothing except your own understanding.
"""

import jax, jax.numpy as jnp
import numpy as np

N_P, N_G, E, D_P, D_G, H, O = 10000, 10000, 320000, 128, 128, 128, 64


def setup_inputs(seed: int = 0) -> dict:
    key = jax.random.key(seed)
    ks = jax.random.split(key, 24)
    inp = {}
    inp['x_patient'] = jax.random.normal(ks[0], (N_P, D_P), dtype=jnp.float32)
    inp['x_gene'] = jax.random.normal(ks[1], (N_G, D_G), dtype=jnp.float32)
    inp['edge_index'] = jax.random.randint(ks[2], (2, E), 0, N_P, dtype=jnp.int64) if jax.config.jax_enable_x64 else jax.random.randint(ks[2], (2, E), 0, N_P, dtype=jnp.int32)
    # patient_mlp params
    inp['pW1'] = jax.random.normal(ks[3], (H, D_P), dtype=jnp.float32) * 0.05
    inp['pb1'] = jnp.zeros((H,), dtype=jnp.float32)
    inp['pW2'] = jax.random.normal(ks[4], (H, H), dtype=jnp.float32) * 0.05
    inp['pb2'] = jnp.zeros((H,), dtype=jnp.float32)
    # gene_mlp params
    inp['gW1'] = jax.random.normal(ks[5], (H, D_G), dtype=jnp.float32) * 0.05
    inp['gb1'] = jnp.zeros((H,), dtype=jnp.float32)
    inp['gW2'] = jax.random.normal(ks[6], (H, H), dtype=jnp.float32) * 0.05
    inp['gb2'] = jnp.zeros((H,), dtype=jnp.float32)
    # SAGEConv 1 (bipartite, aggr='sum'): lin_l (on aggregated src msgs, with bias), lin_r (on dst, no bias)
    inp['s1Wl'] = jax.random.normal(ks[7], (H, H), dtype=jnp.float32) * 0.05
    inp['s1bl'] = jnp.zeros((H,), dtype=jnp.float32)
    inp['s1Wr'] = jax.random.normal(ks[8], (H, H), dtype=jnp.float32) * 0.05
    # SAGEConv 2
    inp['s2Wl'] = jax.random.normal(ks[9], (H, H), dtype=jnp.float32) * 0.05
    inp['s2bl'] = jnp.zeros((H,), dtype=jnp.float32)
    inp['s2Wr'] = jax.random.normal(ks[10], (H, H), dtype=jnp.float32) * 0.05
    # fc
    inp['fcW'] = jax.random.normal(ks[11], (O, H), dtype=jnp.float32) * 0.05
    inp['fcb'] = jnp.zeros((O,), dtype=jnp.float32)
    return inp


def reference(x_patient, x_gene, edge_index, pW1, pb1, pW2, pb2, gW1, gb1, gW2, gb2, s1Wl, s1bl, s1Wr, s2Wl, s2bl, s2Wr, fcW, fcb):
    # patient_mlp / gene_mlp
    px = jnp.maximum(x_patient @ pW1.T + pb1, 0.0) @ pW2.T + pb2
    gx = jnp.maximum(x_gene @ gW1.T + gb1, 0.0) @ gW2.T + gb2
    src = edge_index[0]
    dst = edge_index[1]
    # sage1: bipartite (gene -> patient), sum aggregation
    msg1 = jnp.take(gx, src, axis=0)
    agg1 = jax.ops.segment_sum(msg1, dst, num_segments=px.shape[0])
    px = jnp.maximum(agg1 @ s1Wl.T + s1bl + px @ s1Wr.T, 0.0)
    # sage2: source features are still gene_x (per original forward)
    msg2 = jnp.take(gx, src, axis=0)
    agg2 = jax.ops.segment_sum(msg2, dst, num_segments=px.shape[0])
    px = jnp.maximum(agg2 @ s2Wl.T + s2bl + px @ s2Wr.T, 0.0)
    out = px @ fcW.T + fcb
    return out

if __name__ == "__main__":
    import jax
    _d = setup_inputs()
    print(jax.jit(kernel)(*tuple(_d.values())))

</pallas_src>

<mosaic_0001>
#map = affine_map<(d0, d1) -> (0, 0)>
#map1 = affine_map<(d0, d1) -> (0, 0, 0, 0)>
#map2 = affine_map<(d0, d1) -> (0, 0, 0)>
module attributes {stable_mosaic.version = 14 : i64} {
  func.func @_sc_agg_body(%arg0: i32, %arg1: i32, %arg2: memref<10000x128xf32, #tpu.memory_space<hbm>>, %arg3: memref<10240x128xf32, #tpu.memory_space<hbm>>, %arg4: memref<32x79x2x128xi32, #tpu.memory_space<hbm>>, %arg5: memref<2x10240x128xf32, #tpu.memory_space<hbm>>, %arg6: memref<79x2x128xi32, #tpu.memory_space<vmem>>, %arg7: memref<2x64x128xf32, #tpu.memory_space<vmem>>, %arg8: memref<10240x128xf32, #tpu.memory_space<vmem_shared>>, %arg9: memref<!tpu.dma_semaphore, #tpu.memory_space<semaphore_mem>>, %arg10: memref<!tpu.dma_semaphore, #tpu.memory_space<semaphore_mem>>) attributes {dimension_semantics = [#tpu.dimension_semantics<core_parallel>, #tpu.dimension_semantics<subcore_parallel>], iteration_bounds = array<i64: 2, 16>, scalar_prefetch = 0 : i64, scratch_operands = 5 : i64, tpu.core_type = #tpu.core_type<sc_vector_subcore>, window_params = [{transform_indices = #map}, {transform_indices = #map}, {transform_indices = #map1}, {transform_indices = #map2}]} {
    %mul3A = arith.constant 2 : i32
    %mul3A_0 = arith.muli %arg1, %mul3A : i32
    %add3A = arith.addi %mul3A_0, %arg0 : i32
    %mul3A_1 = arith.constant 640 : i32
    %mul3A_2 = arith.muli %arg1, %mul3A_1 : i32
    %mul3A_3 = arith.constant 640 : i32
    %mul3A_4 = arith.muli %arg1, %mul3A_3 : i32
    "tpu.region"() ({
      %run_scoped3A = tpu.sem_alloc : memref<!tpu.dma_semaphore, #tpu.memory_space<semaphore_mem>>
      %dma_start3A_50 = arith.constant 0 : i32
      %dma_start3A_51 = tpu.memref_slice %arg8[%mul3A_4, %dma_start3A_50] : memref<10240x128xf32, #tpu.memory_space<vmem_shared>> -> memref<640x128xf32, #tpu.memory_space<vmem_shared>>
      %dma_start3A_52 = arith.constant 0 : i32
      %dma_start3A_53 = tpu.memref_slice %arg3[%mul3A_2, %dma_start3A_52] : memref<10240x128xf32, #tpu.memory_space<hbm>> -> memref<640x128xf32, #tpu.memory_space<hbm>>
      tpu.enqueue_dma source(%dma_start3A_53 : memref<640x128xf32, #tpu.memory_space<hbm>>) target(%dma_start3A_51 : memref<640x128xf32, #tpu.memory_space<vmem_shared>>) target_semaphore(%run_scoped3A : memref<!tpu.dma_semaphore, #tpu.memory_space<semaphore_mem>>)
      %dma_wait3A = arith.constant 0 : i32
      %dma_wait3A_54 = tpu.memref_slice %arg8[%mul3A_4, %dma_wait3A] : memref<10240x128xf32, #tpu.memory_space<vmem_shared>> -> memref<640x128xf32, #tpu.memory_space<vmem_shared>>
      %dma_wait3A_55 = arith.constant 0 : i32
      %dma_wait3A_56 = tpu.memref_slice %arg3[%mul3A_2, %dma_wait3A_55] : memref<10240x128xf32, #tpu.memory_space<hbm>> -> memref<640x128xf32, #tpu.memory_space<hbm>>
      tpu.wait_dma2 semaphore(%run_scoped3A : memref<!tpu.dma_semaphore, #tpu.memory_space<semaphore_mem>>) src(%dma_wait3A_56 : memref<640x128xf32, #tpu.memory_space<hbm>>) dst(%dma_wait3A_54 : memref<640x128xf32, #tpu.memory_space<vmem_shared>>)
      tpu.yield
    }) : () -> ()
    "tpu.region"() ({
      %run_scoped3A = tpu.sem_alloc : memref<!tpu.dma_semaphore, #tpu.memory_space<semaphore_mem>>
      %dma_start3A_50 = arith.constant 0 : i32
      %dma_start3A_51 = arith.constant 0 : i32
      %dma_start3A_52 = arith.constant 0 : i32
      %dma_start3A_53 = tpu.memref_slice %arg4[%add3A, %dma_start3A_50, %dma_start3A_51, %dma_start3A_52] : memref<32x79x2x128xi32, #tpu.memory_space<hbm>> -> memref<1x79x2x128xi32, #tpu.memory_space<hbm>>
      %dma_start3A_54 = tpu.memref_squeeze %dma_start3A_53 : memref<1x79x2x128xi32, #tpu.memory_space<hbm>> -> memref<79x2x128xi32, #tpu.memory_space<hbm>>
      %dma_start3A_55 = arith.constant 0 : i32
      %dma_start3A_56 = arith.constant 0 : i32
      %dma_start3A_57 = arith.constant 0 : i32
      %dma_start3A_58 = tpu.memref_slice %arg4[%add3A, %dma_start3A_55, %dma_start3A_56, %dma_start3A_57] : memref<32x79x2x128xi32, #tpu.memory_space<hbm>> -> memref<1x79x2x128xi32, #tpu.memory_space<hbm>>
      %dma_start3A_59 = tpu.memref_squeeze %dma_start3A_58 : memref<1x79x2x128xi32, #tpu.memory_space<hbm>> -> memref<79x2x128xi32, #tpu.memory_space<hbm>>
      tpu.enqueue_dma source(%dma_start3A_59 : memref<79x2x128xi32, #tpu.memory_space<hbm>>) target(%arg6 : memref<79x2x128xi32, #tpu.memory_space<vmem>>) target_semaphore(%run_scoped3A : memref<!tpu.dma_semaphore, #tpu.memory_space<semaphore_mem>>)
      %dma_wait3A = arith.constant 0 : i32
      %dma_wait3A_60 = arith.constant 0 : i32
      %dma_wait3A_61 = arith.constant 0 : i32
      %dma_wait3A_62 = tpu.memref_slice %arg4[%add3A, %dma_wait3A, %dma_wait3A_60, %dma_wait3A_61] : memref<32x79x2x128xi32, #tpu.memory_space<hbm>> -> memref<1x79x2x128xi32, #tpu.memory_space<hbm>>
      %dma_wait3A_63 = tpu.memref_squeeze %dma_wait3A_62 : memref<1x79x2x128xi32, #tpu.memory_space<hbm>> -> memref<79x2x128xi32, #tpu.memory_space<hbm>>
      %dma_wait3A_64 = arith.constant 0 : i32
      %dma_wait3A_65 = arith.constant 0 : i32
      %dma_wait3A_66 = arith.constant 0 : i32
      %dma_wait3A_67 = tpu.memref_slice %arg4[%add3A, %dma_wait3A_64, %dma_wait3A_65, %dma_wait3A_66] : memref<32x79x2x128xi32, #tpu.memory_space<hbm>> -> memref<1x79x2x128xi32, #tpu.memory_space<hbm>>
      %dma_wait3A_68 = tpu.memref_squeeze %dma_wait3A_67 : memref<1x79x2x128xi32, #tpu.memory_space<hbm>> -> memref<79x2x128xi32, #tpu.memory_space<hbm>>
      tpu.wait_dma2 semaphore(%run_scoped3A : memref<!tpu.dma_semaphore, #tpu.memory_space<semaphore_mem>>) src(%dma_wait3A_68 : memref<79x2x128xi32, #tpu.memory_space<hbm>>) dst(%arg6 : memref<79x2x128xi32, #tpu.memory_space<vmem>>)
      tpu.yield
    }) : () -> ()
    %barrier3A = arith.constant 0 : index
    tpu.barrier barrier_id(%barrier3A)
    %div3A = arith.constant 0 : i32
    %div3A_5 = arith.constant 2 : i32
    %div3A_6 = arith.divsi %div3A, %div3A_5 : i32
    %rem3A = arith.constant 0 : i32
    %rem3A_7 = arith.constant 2 : i32
    %rem3A_8 = arith.remsi %rem3A, %rem3A_7 : i32
    %mul3A_9 = arith.constant 64 : i32
    %mul3A_10 = arith.muli %rem3A_8, %mul3A_9 : i32
    %dma_start3A = arith.constant 0 : i32
    %dma_start3A_11 = arith.constant 0 : i32
    %dma_start3A_12 = arith.constant 0 : i32
    %dma_start3A_13 = arith.constant 0 : i32
    %dma_start3A_14 = tpu.memref_slice %arg7[%dma_start3A_11, %dma_start3A_12, %dma_start3A_13] : memref<2x64x128xf32, #tpu.memory_space<vmem>> -> memref<1x64x128xf32, #tpu.memory_space<vmem>>
    %dma_start3A_15 = tpu.memref_squeeze %dma_start3A_14 : memref<1x64x128xf32, #tpu.memory_space<vmem>> -> memref<64x128xf32, #tpu.memory_space<vmem>>
    %dma_start3A_16 = tpu.memref_slice %arg6[%div3A_6, %dma_start3A, %mul3A_10] : memref<79x2x128xi32, #tpu.memory_space<vmem>> -> memref<1x1x64xi32, #tpu.memory_space<vmem>>
    %dma_start3A_17 = tpu.memref_squeeze %dma_start3A_16 : memref<1x1x64xi32, #tpu.memory_space<vmem>> -> memref<64xi32, #tpu.memory_space<vmem>>
    %dma_start3A_18 = arith.constant 0 : i32
    %dma_start3A_19 = arith.constant 0 : i32
    %dma_start3A_20 = tpu.memref_slice %arg2[%dma_start3A_18, %dma_start3A_19] : memref<10000x128xf32, #tpu.memory_space<hbm>> -> memref<10000x128xf32, #tpu.memory_space<hbm>>
    tpu.enqueue_indirect_dma source(%dma_start3A_20 : memref<10000x128xf32, #tpu.memory_space<hbm>>) target(%dma_start3A_15 : memref<64x128xf32, #tpu.memory_space<vmem>>) offsets(%dma_start3A_17 : memref<64xi32, #tpu.memory_space<vmem>>) semaphore(%arg9 : memref<!tpu.dma_semaphore, #tpu.memory_space<semaphore_mem>>)
    %div3A_21 = arith.constant 1 : i32
    %div3A_22 = arith.constant 2 : i32
    %div3A_23 = arith.divsi %div3A_21, %div3A_22 : i32
    %rem3A_24 = arith.constant 1 : i32
    %rem3A_25 = arith.constant 2 : i32
    %rem3A_26 = arith.remsi %rem3A_24, %rem3A_25 : i32
    %mul3A_27 = arith.constant 64 : i32
    %mul3A_28 = arith.muli %rem3A_26, %mul3A_27 : i32
    %dma_start3A_29 = arith.constant 0 : i32
    %dma_start3A_30 = arith.constant 1 : i32
    %dma_start3A_31 = arith.constant 0 : i32
    %dma_start3A_32 = arith.constant 0 : i32
    %dma_start3A_33 = tpu.memref_slice %arg7[%dma_start3A_30, %dma_start3A_31, %dma_start3A_32] : memref<2x64x128xf32, #tpu.memory_space<vmem>> -> memref<1x64x128xf32, #tpu.memory_space<vmem>>
    %dma_start3A_34 = tpu.memref_squeeze %dma_start3A_33 : memref<1x64x128xf32, #tpu.memory_space<vmem>> -> memref<64x128xf32, #tpu.memory_space<vmem>>
    %dma_start3A_35 = tpu.memref_slice %arg6[%div3A_23, %dma_start3A_29, %mul3A_28] : memref<79x2x128xi32, #tpu.memory_space<vmem>> -> memref<1x1x64xi32, #tpu.memory_space<vmem>>
    %dma_start3A_36 = tpu.memref_squeeze %dma_start3A_35 : memref<1x1x64xi32, #tpu.memory_space<vmem>> -> memref<64xi32, #tpu.memory_space<vmem>>
    %dma_start3A_37 = arith.constant 0 : i32
    %dma_start3A_38 = arith.constant 0 : i32
    %dma_start3A_39 = tpu.memref_slice %arg2[%dma_start3A_37, %dma_start3A_38] : memref<10000x128xf32, #tpu.memory_space<hbm>> -> memref<10000x128xf32, #tpu.memory_space<hbm>>
    tpu.enqueue_indirect_dma source(%dma_start3A_39 : memref<10000x128xf32, #tpu.memory_space<hbm>>) target(%dma_start3A_34 : memref<64x128xf32, #tpu.memory_space<vmem>>) offsets(%dma_start3A_36 : memref<64xi32, #tpu.memory_space<vmem>>) semaphore(%arg10 : memref<!tpu.dma_semaphore, #tpu.memory_space<semaphore_mem>>)
    %scan3A = arith.constant 0 : i32
    %scan3A_40 = arith.constant 0 : i32
    %scan3A_41 = arith.constant 79 : i32
    %scan3A_42 = arith.addi %scan3A_40, %scan3A_41 : i32
    %scan3A_43 = arith.constant 1 : i32
    scf.for %scan3A_50 = %scan3A_40 to %scan3A_42 step %scan3A_43  : i32 {
      %mul3A_51 = arith.constant 2 : i32
      %mul3A_52 = arith.muli %scan3A_50, %mul3A_51 : i32
      %add3A_53 = arith.constant 0 : i32
      %add3A_54 = arith.addi %mul3A_52, %add3A_53 : i32
      %dma_wait3A = arith.constant 0 : i32
      %dma_wait3A_55 = arith.constant 0 : i32
      %dma_wait3A_56 = arith.constant 0 : i32
      %dma_wait3A_57 = arith.constant 0 : i32
      %dma_wait3A_58 = arith.constant 0 : i32
      %dma_wait3A_59 = tpu.memref_slice %arg7[%dma_wait3A_56, %dma_wait3A_57, %dma_wait3A_58] : memref<2x64x128xf32, #tpu.memory_space<vmem>> -> memref<1x64x128xf32, #tpu.memory_space<vmem>>
      %dma_wait3A_60 = tpu.memref_squeeze %dma_wait3A_59 : memref<1x64x128xf32, #tpu.memory_space<vmem>> -> memref<64x128xf32, #tpu.memory_space<vmem>>
      %dma_wait3A_61 = arith.constant 0 : i32
      %dma_wait3A_62 = tpu.memref_slice %arg6[%dma_wait3A, %dma_wait3A_55, %dma_wait3A_61] : memref<79x2x128xi32, #tpu.memory_space<vmem>> -> memref<1x1x64xi32, #tpu.memory_space<vmem>>
      %dma_wait3A_63 = tpu.memref_squeeze %dma_wait3A_62 : memref<1x1x64xi32, #tpu.memory_space<vmem>> -> memref<64xi32, #tpu.memory_space<vmem>>
      %dma_wait3A_64 = arith.constant 0 : i32
      %dma_wait3A_65 = arith.constant 0 : i32
      %dma_wait3A_66 = tpu.memref_slice %arg2[%dma_wait3A_64, %dma_wait3A_65] : memref<10000x128xf32, #tpu.memory_space<hbm>> -> memref<10000x128xf32, #tpu.memory_space<hbm>>
      tpu.wait_indirect_dma semaphore(%arg9 : memref<!tpu.dma_semaphore, #tpu.memory_space<semaphore_mem>>) src(%dma_wait3A_66 : memref<10000x128xf32, #tpu.memory_space<hbm>>) dst(%dma_wait3A_60 : memref<64x128xf32, #tpu.memory_space<vmem>>)
      %div3A_67 = arith.constant 2 : i32
      %div3A_68 = arith.divsi %add3A_54, %div3A_67 : i32
      %rem3A_69 = arith.constant 2 : i32
      %rem3A_70 = arith.remsi %add3A_54, %rem3A_69 : i32
      %mul3A_71 = arith.constant 64 : i32
      %mul3A_72 = arith.muli %rem3A_70, %mul3A_71 : i32
      %run_scoped3A = arith.constant 0 : i32
      %run_scoped3A_73 = arith.constant 1 : i32
      "tpu.region"() ({
        %run_scoped3A_110 = tpu.sem_alloc : memref<!tpu.dma_semaphore, #tpu.memory_space<semaphore_mem>>
        %dma_start3A_111 = arith.constant 0 : i32
        %dma_start3A_112 = arith.constant 0 : i32
        %dma_start3A_113 = tpu.memref_slice %arg7[%run_scoped3A, %dma_start3A_111, %dma_start3A_112] : memref<2x64x128xf32, #tpu.memory_space<vmem>> -> memref<1x64x128xf32, #tpu.memory_space<vmem>>
        %dma_start3A_114 = tpu.memref_squeeze %dma_start3A_113 : memref<1x64x128xf32, #tpu.memory_space<vmem>> -> memref<64x128xf32, #tpu.memory_space<vmem>>
        %dma_start3A_115 = tpu.memref_slice %arg6[%div3A_68, %run_scoped3A_73, %mul3A_72] : memref<79x2x128xi32, #tpu.memory_space<vmem>> -> memref<1x1x64xi32, #tpu.memory_space<vmem>>
        %dma_start3A_116 = tpu.memref_squeeze %dma_start3A_115 : memref<1x1x64xi32, #tpu.memory_space<vmem>> -> memref<64xi32, #tpu.memory_space<vmem>>
        %dma_start3A_117 = arith.constant 0 : i32
        %dma_start3A_118 = arith.constant 0 : i32
        %dma_start3A_119 = tpu.memref_slice %arg8[%dma_start3A_117, %dma_start3A_118] : memref<10240x128xf32, #tpu.memory_space<vmem_shared>> -> memref<10240x128xf32, #tpu.memory_space<vmem_shared>>
        tpu.enqueue_indirect_dma source(%dma_start3A_114 : memref<64x128xf32, #tpu.memory_space<vmem>>) target(%dma_start3A_119 : memref<10240x128xf32, #tpu.memory_space<vmem_shared>>) offsets(%dma_start3A_116 : memref<64xi32, #tpu.memory_space<vmem>>) semaphore(%run_scoped3A_110 : memref<!tpu.dma_semaphore, #tpu.memory_space<semaphore_mem>>) {add = true}
        %dma_wait3A_120 = arith.constant 0 : i32
        %dma_wait3A_121 = arith.constant 0 : i32
        %dma_wait3A_122 = tpu.memref_slice %arg7[%run_scoped3A, %dma_wait3A_120, %dma_wait3A_121] : memref<2x64x128xf32, #tpu.memory_space<vmem>> -> memref<1x64x128xf32, #tpu.memory_space<vmem>>
        %dma_wait3A_123 = tpu.memref_squeeze %dma_wait3A_122 : memref<1x64x128xf32, #tpu.memory_space<vmem>> -> memref<64x128xf32, #tpu.memory_space<vmem>>
        %dma_wait3A_124 = tpu.memref_slice %arg6[%div3A_68, %run_scoped3A_73, %mul3A_72] : memref<79x2x128xi32, #tpu.memory_space<vmem>> -> memref<1x1x64xi32, #tpu.memory_space<vmem>>
        %dma_wait3A_125 = tpu.memref_squeeze %dma_wait3A_124 : memref<1x1x64xi32, #tpu.memory_space<vmem>> -> memref<64xi32, #tpu.memory_space<vmem>>
        %dma_wait3A_126 = arith.constant 0 : i32
        %dma_wait3A_127 = arith.constant 0 : i32
        %dma_wait3A_128 = tpu.memref_slice %arg8[%dma_wait3A_126, %dma_wait3A_127] : memref<10240x128xf32, #tpu.memory_space<vmem_shared>> -> memref<10240x128xf32, #tpu.memory_space<vmem_shared>>
        tpu.wait_indirect_dma semaphore(%run_scoped3A_110 : memref<!tpu.dma_semaphore, #tpu.memory_space<semaphore_mem>>) src(%dma_wait3A_123 : memref<64x128xf32, #tpu.memory_space<vmem>>) dst(%dma_wait3A_128 : memref<10240x128xf32, #tpu.memory_space<vmem_shared>>)
        tpu.yield
      }) : () -> ()
      %add3A_74 = arith.constant 2 : i32
      %add3A_75 = arith.addi %add3A_54, %add3A_74 : i32
      %lt3A = arith.constant 158 : i32
      %lt3A_76 = arith.cmpi slt, %add3A_75, %lt3A : i32
      %convert_element_type3A = arith.extui %lt3A_76 : i1 to i32
      %cond3A = arith.constant 0 : i32
      %cond3A_77 = arith.cmpi ne, %convert_element_type3A, %cond3A : i32
      scf.if %cond3A_77 {
        %add3A_110 = arith.constant 2 : i32
        %add3A_111 = arith.addi %add3A_54, %add3A_110 : i32
        %div3A_112 = arith.constant 2 : i32
        %div3A_113 = arith.divsi %add3A_111, %div3A_112 : i32
        %rem3A_114 = arith.constant 2 : i32
        %rem3A_115 = arith.remsi %add3A_111, %rem3A_114 : i32
        %mul3A_116 = arith.constant 64 : i32
        %mul3A_117 = arith.muli %rem3A_115, %mul3A_116 : i32
        %dma_start3A_118 = arith.constant 0 : i32
        %dma_start3A_119 = arith.constant 0 : i32
        %dma_start3A_120 = arith.constant 0 : i32
        %dma_start3A_121 = arith.constant 0 : i32
        %dma_start3A_122 = tpu.memref_slice %arg7[%dma_start3A_119, %dma_start3A_120, %dma_start3A_121] : memref<2x64x128xf32, #tpu.memory_space<vmem>> -> memref<1x64x128xf32, #tpu.memory_space<vmem>>
        %dma_start3A_123 = tpu.memref_squeeze %dma_start3A_122 : memref<1x64x128xf32, #tpu.memory_space<vmem>> -> memref<64x128xf32, #tpu.memory_space<vmem>>
        %dma_start3A_124 = tpu.memref_slice %arg6[%div3A_113, %dma_start3A_118, %mul3A_117] : memref<79x2x128xi32, #tpu.memory_space<vmem>> -> memref<1x1x64xi32, #tpu.memory_space<vmem>>
        %dma_start3A_125 = tpu.memref_squeeze %dma_start3A_124 : memref<1x1x64xi32, #tpu.memory_space<vmem>> -> memref<64xi32, #tpu.memory_space<vmem>>
        %dma_start3A_126 = arith.constant 0 : i32
        %dma_start3A_127 = arith.constant 0 : i32
        %dma_start3A_128 = tpu.memref_slice %arg2[%dma_start3A_126, %dma_start3A_127] : memref<10000x128xf32, #tpu.memory_space<hbm>> -> memref<10000x128xf32, #tpu.memory_space<hbm>>
        tpu.enqueue_indirect_dma source(%dma_start3A_128 : memref<10000x128xf32, #tpu.memory_space<hbm>>) target(%dma_start3A_123 : memref<64x128xf32, #tpu.memory_space<vmem>>) offsets(%dma_start3A_125 : memref<64xi32, #tpu.memory_space<vmem>>) semaphore(%arg9 : memref<!tpu.dma_semaphore, #tpu.memory_space<semaphore_mem>>)
      } else {
      }
      %mul3A_78 = arith.constant 2 : i32
      %mul3A_79 = arith.muli %scan3A_50, %mul3A_78 : i32
      %add3A_80 = arith.constant 1 : i32
      %add3A_81 = arith.addi %mul3A_79, %add3A_80 : i32
      %dma_wait3A_82 = arith.constant 0 : i32
      %dma_wait3A_83 = arith.constant 0 : i32
      %dma_wait3A_84 = arith.constant 1 : i32
      %dma_wait3A_85 = arith.constant 0 : i32
      %dma_wait3A_86 = arith.constant 0 : i32
      %dma_wait3A_87 = tpu.memref_slice %arg7[%dma_wait3A_84, %dma_wait3A_85, %dma_wait3A_86] : memref<2x64x128xf32, #tpu.memory_space<vmem>> -> memref<1x64x128xf32, #tpu.memory_space<vmem>>
      %dma_wait3A_88 = tpu.memref_squeeze %dma_wait3A_87 : memref<1x64x128xf32, #tpu.memory_space<vmem>> -> memref<64x128xf32, #tpu.memory_space<vmem>>
      %dma_wait3A_89 = arith.constant 0 : i32
      %dma_wait3A_90 = tpu.memref_slice %arg6[%dma_wait3A_82, %dma_wait3A_83, %dma_wait3A_89] : memref<79x2x128xi32, #tpu.memory_space<vmem>> -> memref<1x1x64xi32, #tpu.memory_space<vmem>>
      %dma_wait3A_91 = tpu.memref_squeeze %dma_wait3A_90 : memref<1x1x64xi32, #tpu.memory_space<vmem>> -> memref<64xi32, #tpu.memory_space<vmem>>
      %dma_wait3A_92 = arith.constant 0 : i32
      %dma_wait3A_93 = arith.constant 0 : i32
      %dma_wait3A_94 = tpu.memref_slice %arg2[%dma_wait3A_92, %dma_wait3A_93] : memref<10000x128xf32, #tpu.memory_space<hbm>> -> memref<10000x128xf32, #tpu.memory_space<hbm>>
      tpu.wait_indirect_dma semaphore(%arg10 : memref<!tpu.dma_semaphore, #tpu.memory_space<semaphore_mem>>) src(%dma_wait3A_94 : memref<10000x128xf32, #tpu.memory_space<hbm>>) dst(%dma_wait3A_88 : memref<64x128xf32, #tpu.memory_space<vmem>>)
      %div3A_95 = arith.constant 2 : i32
      %div3A_96 = arith.divsi %add3A_81, %div3A_95 : i32
      %rem3A_97 = arith.constant 2 : i32
      %rem3A_98 = arith.remsi %add3A_81, %rem3A_97 : i32
      %mul3A_99 = arith.constant 64 : i32
      %mul3A_100 = arith.muli %rem3A_98, %mul3A_99 : i32
      %run_scoped3A_101 = arith.constant 1 : i32
      %run_scoped3A_102 = arith.constant 1 : i32
      "tpu.region"() ({
        %run_scoped3A_110 = tpu.sem_alloc : memref<!tpu.dma_semaphore, #tpu.memory_space<semaphore_mem>>
        %dma_start3A_111 = arith.constant 0 : i32
        %dma_start3A_112 = arith.constant 0 : i32
        %dma_start3A_113 = tpu.memref_slice %arg7[%run_scoped3A_101, %dma_start3A_111, %dma_start3A_112] : memref<2x64x128xf32, #tpu.memory_space<vmem>> -> memref<1x64x128xf32, #tpu.memory_space<vmem>>
        %dma_start3A_114 = tpu.memref_squeeze %dma_start3A_113 : memref<1x64x128xf32, #tpu.memory_space<vmem>> -> memref<64x128xf32, #tpu.memory_space<vmem>>
        %dma_start3A_115 = tpu.memref_slice %arg6[%div3A_96, %run_scoped3A_102, %mul3A_100] : memref<79x2x128xi32, #tpu.memory_space<vmem>> -> memref<1x1x64xi32, #tpu.memory_space<vmem>>
        %dma_start3A_116 = tpu.memref_squeeze %dma_start3A_115 : memref<1x1x64xi32, #tpu.memory_space<vmem>> -> memref<64xi32, #tpu.memory_space<vmem>>
        %dma_start3A_117 = arith.constant 0 : i32
        %dma_start3A_118 = arith.constant 0 : i32
        %dma_start3A_119 = tpu.memref_slice %arg8[%dma_start3A_117, %dma_start3A_118] : memref<10240x128xf32, #tpu.memory_space<vmem_shared>> -> memref<10240x128xf32, #tpu.memory_space<vmem_shared>>
        tpu.enqueue_indirect_dma source(%dma_start3A_114 : memref<64x128xf32, #tpu.memory_space<vmem>>) target(%dma_start3A_119 : memref<10240x128xf32, #tpu.memory_space<vmem_shared>>) offsets(%dma_start3A_116 : memref<64xi32, #tpu.memory_space<vmem>>) semaphore(%run_scoped3A_110 : memref<!tpu.dma_semaphore, #tpu.memory_space<semaphore_mem>>) {add = true}
        %dma_wait3A_120 = arith.constant 0 : i32
        %dma_wait3A_121 = arith.constant 0 : i32
        %dma_wait3A_122 = tpu.memref_slice %arg7[%run_scoped3A_101, %dma_wait3A_120, %dma_wait3A_121] : memref<2x64x128xf32, #tpu.memory_space<vmem>> -> memref<1x64x128xf32, #tpu.memory_space<vmem>>
        %dma_wait3A_123 = tpu.memref_squeeze %dma_wait3A_122 : memref<1x64x128xf32, #tpu.memory_space<vmem>> -> memref<64x128xf32, #tpu.memory_space<vmem>>
        %dma_wait3A_124 = tpu.memref_slice %arg6[%div3A_96, %run_scoped3A_102, %mul3A_100] : memref<79x2x128xi32, #tpu.memory_space<vmem>> -> memref<1x1x64xi32, #tpu.memory_space<vmem>>
        %dma_wait3A_125 = tpu.memref_squeeze %dma_wait3A_124 : memref<1x1x64xi32, #tpu.memory_space<vmem>> -> memref<64xi32, #tpu.memory_space<vmem>>
        %dma_wait3A_126 = arith.constant 0 : i32
        %dma_wait3A_127 = arith.constant 0 : i32
        %dma_wait3A_128 = tpu.memref_slice %arg8[%dma_wait3A_126, %dma_wait3A_127] : memref<10240x128xf32, #tpu.memory_space<vmem_shared>> -> memref<10240x128xf32, #tpu.memory_space<vmem_shared>>
        tpu.wait_indirect_dma semaphore(%run_scoped3A_110 : memref<!tpu.dma_semaphore, #tpu.memory_space<semaphore_mem>>) src(%dma_wait3A_123 : memref<64x128xf32, #tpu.memory_space<vmem>>) dst(%dma_wait3A_128 : memref<10240x128xf32, #tpu.memory_space<vmem_shared>>)
        tpu.yield
      }) : () -> ()
      %add3A_103 = arith.constant 2 : i32
      %add3A_104 = arith.addi %add3A_81, %add3A_103 : i32
      %lt3A_105 = arith.constant 158 : i32
      %lt3A_106 = arith.cmpi slt, %add3A_104, %lt3A_105 : i32
      %convert_element_type3A_107 = arith.extui %lt3A_106 : i1 to i32
      %cond3A_108 = arith.constant 0 : i32
      %cond3A_109 = arith.cmpi ne, %convert_element_type3A_107, %cond3A_108 : i32
      scf.if %cond3A_109 {
        %add3A_110 = arith.constant 2 : i32
        %add3A_111 = arith.addi %add3A_81, %add3A_110 : i32
        %div3A_112 = arith.constant 2 : i32
        %div3A_113 = arith.divsi %add3A_111, %div3A_112 : i32
        %rem3A_114 = arith.constant 2 : i32
        %rem3A_115 = arith.remsi %add3A_111, %rem3A_114 : i32
        %mul3A_116 = arith.constant 64 : i32
        %mul3A_117 = arith.muli %rem3A_115, %mul3A_116 : i32
        %dma_start3A_118 = arith.constant 0 : i32
        %dma_start3A_119 = arith.constant 1 : i32
        %dma_start3A_120 = arith.constant 0 : i32
        %dma_start3A_121 = arith.constant 0 : i32
        %dma_start3A_122 = tpu.memref_slice %arg7[%dma_start3A_119, %dma_start3A_120, %dma_start3A_121] : memref<2x64x128xf32, #tpu.memory_space<vmem>> -> memref<1x64x128xf32, #tpu.memory_space<vmem>>
        %dma_start3A_123 = tpu.memref_squeeze %dma_start3A_122 : memref<1x64x128xf32, #tpu.memory_space<vmem>> -> memref<64x128xf32, #tpu.memory_space<vmem>>
        %dma_start3A_124 = tpu.memref_slice %arg6[%div3A_113, %dma_start3A_118, %mul3A_117] : memref<79x2x128xi32, #tpu.memory_space<vmem>> -> memref<1x1x64xi32, #tpu.memory_space<vmem>>
        %dma_start3A_125 = tpu.memref_squeeze %dma_start3A_124 : memref<1x1x64xi32, #tpu.memory_space<vmem>> -> memref<64xi32, #tpu.memory_space<vmem>>
        %dma_start3A_126 = arith.constant 0 : i32
        %dma_start3A_127 = arith.constant 0 : i32
        %dma_start3A_128 = tpu.memref_slice %arg2[%dma_start3A_126, %dma_start3A_127] : memref<10000x128xf32, #tpu.memory_space<hbm>> -> memref<10000x128xf32, #tpu.memory_space<hbm>>
        tpu.enqueue_indirect_dma source(%dma_start3A_128 : memref<10000x128xf32, #tpu.memory_space<hbm>>) target(%dma_start3A_123 : memref<64x128xf32, #tpu.memory_space<vmem>>) offsets(%dma_start3A_125 : memref<64xi32, #tpu.memory_space<vmem>>) semaphore(%arg10 : memref<!tpu.dma_semaphore, #tpu.memory_space<semaphore_mem>>)
      } else {
      }
    }
    %scan3A_44 = arith.constant 79 : i32
    %barrier3A_45 = arith.constant 0 : index
    tpu.barrier barrier_id(%barrier3A_45)
    %mul3A_46 = arith.constant 640 : i32
    %mul3A_47 = arith.muli %arg1, %mul3A_46 : i32
    %mul3A_48 = arith.constant 640 : i32
    %mul3A_49 = arith.muli %arg1, %mul3A_48 : i32
    "tpu.region"() ({
      %run_scoped3A = tpu.sem_alloc : memref<!tpu.dma_semaphore, #tpu.memory_space<semaphore_mem>>
      %dma_start3A_50 = arith.constant 0 : i32
      %dma_start3A_51 = arith.constant 0 : i32
      %dma_start3A_52 = tpu.memref_slice %arg5[%arg0, %dma_start3A_50, %dma_start3A_51] : memref<2x10240x128xf32, #tpu.memory_space<hbm>> -> memref<1x10240x128xf32, #tpu.memory_space<hbm>>
      %dma_start3A_53 = tpu.memref_squeeze %dma_start3A_52 : memref<1x10240x128xf32, #tpu.memory_space<hbm>> -> memref<10240x128xf32, #tpu.memory_space<hbm>>
      %dma_start3A_54 = arith.constant 0 : i32
      %dma_start3A_55 = tpu.memref_slice %dma_start3A_53[%mul3A_49, %dma_start3A_54] : memref<10240x128xf32, #tpu.memory_space<hbm>> -> memref<640x128xf32, #tpu.memory_space<hbm>>
      %dma_start3A_56 = arith.constant 0 : i32
      %dma_start3A_57 = tpu.memref_slice %arg8[%mul3A_47, %dma_start3A_56] : memref<10240x128xf32, #tpu.memory_space<vmem_shared>> -> memref<640x128xf32, #tpu.memory_space<vmem_shared>>
      tpu.enqueue_dma source(%dma_start3A_57 : memref<640x128xf32, #tpu.memory_space<vmem_shared>>) target(%dma_start3A_55 : memref<640x128xf32, #tpu.memory_space<hbm>>) target_semaphore(%run_scoped3A : memref<!tpu.dma_semaphore, #tpu.memory_space<semaphore_mem>>)
      %dma_wait3A = arith.constant 0 : i32
      %dma_wait3A_58 = arith.constant 0 : i32
      %dma_wait3A_59 = tpu.memref_slice %arg5[%arg0, %dma_wait3A, %dma_wait3A_58] : memref<2x10240x128xf32, #tpu.memory_space<hbm>> -> memref<1x10240x128xf32, #tpu.memory_space<hbm>>
      %dma_wait3A_60 = tpu.memref_squeeze %dma_wait3A_59 : memref<1x10240x128xf32, #tpu.memory_space<hbm>> -> memref<10240x128xf32, #tpu.memory_space<hbm>>
      %dma_wait3A_61 = arith.constant 0 : i32
      %dma_wait3A_62 = tpu.memref_slice %dma_wait3A_60[%mul3A_49, %dma_wait3A_61] : memref<10240x128xf32, #tpu.memory_space<hbm>> -> memref<640x128xf32, #tpu.memory_space<hbm>>
      %dma_wait3A_63 = arith.constant 0 : i32
      %dma_wait3A_64 = tpu.memref_slice %arg8[%mul3A_47, %dma_wait3A_63] : memref<10240x128xf32, #tpu.memory_space<vmem_shared>> -> memref<640x128xf32, #tpu.memory_space<vmem_shared>>
      tpu.wait_dma2 semaphore(%run_scoped3A : memref<!tpu.dma_semaphore, #tpu.memory_space<semaphore_mem>>) src(%dma_wait3A_64 : memref<640x128xf32, #tpu.memory_space<vmem_shared>>) dst(%dma_wait3A_62 : memref<640x128xf32, #tpu.memory_space<hbm>>)
      tpu.yield
    }) : () -> ()
    return
  }
}

module attributes {stable_mosaic.version = 14 : i64} {
  func.func @_mlp_body(%arg0: i32, %arg1: memref<1000x128xf32, #tpu.memory_space<vmem>>, %arg2: memref<128x128xf32, #tpu.memory_space<vmem>>, %arg3: memref<1x128xf32, #tpu.memory_space<vmem>>, %arg4: memref<128x128xf32, #tpu.memory_space<vmem>>, %arg5: memref<1x128xf32, #tpu.memory_space<vmem>>, %arg6: memref<1000x128xf32, #tpu.memory_space<vmem>>) attributes {dimension_semantics = [#tpu.dimension_semantics<arbitrary>], iteration_bounds = array<i64: 10>, scalar_prefetch = 0 : i64, scratch_operands = 0 : i64, tpu.core_type = #tpu.core_type<tc>, window_params = [{transform_indices = @transform_0, window_bounds = array<i64: 1000, 128>}, {pipeline_mode = #tpu.pipeline_mode<synchronous>, transform_indices = @transform_1, window_bounds = array<i64: 128, 128>}, {pipeline_mode = #tpu.pipeline_mode<synchronous>, transform_indices = @transform_2, window_bounds = array<i64: 1, 128>}, {pipeline_mode = #tpu.pipeline_mode<synchronous>, transform_indices = @transform_3, window_bounds = array<i64: 128, 128>}, {pipeline_mode = #tpu.pipeline_mode<synchronous>, transform_indices = @transform_4, window_bounds = array<i64: 1, 128>}, {transform_indices = @transform_5, window_bounds = array<i64: 1000, 128>}]} {
    %get3A = arith.constant 0 : index
    %get3A_0 = arith.constant 0 : index
    %get3A_1 = vector.load %arg1[%get3A, %get3A_0] : memref<1000x128xf32, #tpu.memory_space<vmem>>, vector<1000x128xf32>
    %get3A_2 = arith.constant 0 : index
    %get3A_3 = arith.constant 0 : index
    %get3A_4 = vector.load %arg2[%get3A_2, %get3A_3] : memref<128x128xf32, #tpu.memory_space<vmem>>, vector<128x128xf32>
    %transpose3A = tpu.transpose %get3A_4, [1, 0] : vector<128x128xf32> -> vector<128x128xf32>
    %dot_general3A = arith.constant dense<0.000000e+00> : vector<1000x128xf32>
    %dot_general3A_5 = tpu.matmul %get3A_1, %transpose3A, %dot_general3A {dimension_numbers = #tpu.dot_dimension_numbers<[1], [0], [0], [1], [0, 0, 1, 1], [], []>, transpose_lhs_hint = false} : vector<1000x128xf32>, vector<128x128xf32>, vector<1000x128xf32> -> vector<1000x128xf32>
    %get3A_6 = arith.constant 0 : index
    %get3A_7 = arith.constant 0 : index
    %get3A_8 = vector.load %arg3[%get3A_6, %get3A_7] : memref<1x128xf32, #tpu.memory_space<vmem>>, vector<1x128xf32>
    %get3A_9 = vector.shape_cast %get3A_8 : vector<1x128xf32> to vector<128xf32>
    %broadcast_in_dim3A = vector.shape_cast %get3A_9 : vector<128xf32> to vector<1x128xf32>
    %add3A = vector.broadcast %broadcast_in_dim3A : vector<1x128xf32> to vector<1000x128xf32>
    %add3A_10 = arith.addf %dot_general3A_5, %add3A : vector<1000x128xf32>
    %max3A = arith.constant 0.000000e+00 : f32
    %max3A_11 = vector.broadcast %max3A : f32 to vector<1000x128xf32>
    %max3A_12 = arith.maximumf %add3A_10, %max3A_11 : vector<1000x128xf32>
    %get3A_13 = arith.constant 0 : index
    %get3A_14 = arith.constant 0 : index
    %get3A_15 = vector.load %arg4[%get3A_13, %get3A_14] : memref<128x128xf32, #tpu.memory_space<vmem>>, vector<128x128xf32>
    %transpose3A_16 = tpu.transpose %get3A_15, [1, 0] : vector<128x128xf32> -> vector<128x128xf32>
    %dot_general3A_17 = arith.constant dense<0.000000e+00> : vector<1000x128xf32>
    %dot_general3A_18 = tpu.matmul %max3A_12, %transpose3A_16, %dot_general3A_17 {dimension_numbers = #tpu.dot_dimension_numbers<[1], [0], [0], [1], [0, 0, 1, 1], [], []>, transpose_lhs_hint = false} : vector<1000x128xf32>, vector<128x128xf32>, vector<1000x128xf32> -> vector<1000x128xf32>
    %get3A_19 = arith.constant 0 : index
    %get3A_20 = arith.constant 0 : index
    %get3A_21 = vector.load %arg5[%get3A_19, %get3A_20] : memref<1x128xf32, #tpu.memory_space<vmem>>, vector<1x128xf32>
    %get3A_22 = vector.shape_cast %get3A_21 : vector<1x128xf32> to vector<128xf32>
    %broadcast_in_dim3A_23 = vector.shape_cast %get3A_22 : vector<128xf32> to vector<1x128xf32>
    %add3A_24 = vector.broadcast %broadcast_in_dim3A_23 : vector<1x128xf32> to vector<1000x128xf32>
    %add3A_25 = arith.addf %dot_general3A_18, %add3A_24 : vector<1000x128xf32>
    %swap3A = arith.constant 0 : index
    %swap3A_26 = arith.constant 0 : index
    %swap3A_27 = vector.load %arg6[%swap3A, %swap3A_26] : memref<1000x128xf32, #tpu.memory_space<vmem>>, vector<1000x128xf32>
    tpu.vector_store %arg6[%swap3A, %swap3A_26], %add3A_25 {strides = array<i32>} : memref<1000x128xf32, #tpu.memory_space<vmem>>, vector<1000x128xf32>,
    return
  }
  func.func @transform_0(%arg0: i32) -> (i32, i32) {
    %c0_i32 = arith.constant 0 : i32
    %c0_i32_0 = arith.constant 0 : i32
    return %arg0, %c0_i32 : i32, i32
  }
  func.func @transform_1(%arg0: i32) -> (i32, i32) {
    %c0_i32 = arith.constant 0 : i32
    %c0_i32_0 = arith.constant 0 : i32
    %c0_i32_1 = arith.constant 0 : i32
    return %c0_i32, %c0_i32_0 : i32, i32
  }
  func.func @transform_2(%arg0: i32) -> (i32, i32) {
    %c0_i32 = arith.constant 0 : i32
    %c0_i32_0 = arith.constant 0 : i32
    %c0_i32_1 = arith.constant 0 : i32
    return %c0_i32, %c0_i32_0 : i32, i32
  }
  func.func @transform_3(%arg0: i32) -> (i32, i32) {
    %c0_i32 = arith.constant 0 : i32
    %c0_i32_0 = arith.constant 0 : i32
    %c0_i32_1 = arith.constant 0 : i32
    return %c0_i32, %c0_i32_0 : i32, i32
  }
  func.func @transform_4(%arg0: i32) -> (i32, i32) {
    %c0_i32 = arith.constant 0 : i32
    %c0_i32_0 = arith.constant 0 : i32
    %c0_i32_1 = arith.constant 0 : i32
    return %c0_i32, %c0_i32_0 : i32, i32
  }
  func.func @transform_5(%arg0: i32) -> (i32, i32) {
    %c0_i32 = arith.constant 0 : i32
    %c0_i32_0 = arith.constant 0 : i32
    return %arg0, %c0_i32 : i32, i32
  }
}

module attributes {stable_mosaic.version = 14 : i64} {
  func.func @_tail_body(%arg0: i32, %arg1: memref<2x1000x128xf32, #tpu.memory_space<vmem>>, %arg2: memref<1000x128xf32, #tpu.memory_space<vmem>>, %arg3: memref<128x128xf32, #tpu.memory_space<vmem>>, %arg4: memref<1x128xf32, #tpu.memory_space<vmem>>, %arg5: memref<128x128xf32, #tpu.memory_space<vmem>>, %arg6: memref<128x128xf32, #tpu.memory_space<vmem>>, %arg7: memref<1x128xf32, #tpu.memory_space<vmem>>, %arg8: memref<128x128xf32, #tpu.memory_space<vmem>>, %arg9: memref<64x128xf32, #tpu.memory_space<vmem>>, %arg10: memref<1x64xf32, #tpu.memory_space<vmem>>, %arg11: memref<1000x64xf32, #tpu.memory_space<vmem>>) attributes {dimension_semantics = [#tpu.dimension_semantics<arbitrary>], iteration_bounds = array<i64: 10>, scalar_prefetch = 0 : i64, scratch_operands = 0 : i64, tpu.core_type = #tpu.core_type<tc>, window_params = [{transform_indices = @transform_0, window_bounds = array<i64: 2, 1000, 128>}, {transform_indices = @transform_1, window_bounds = array<i64: 1000, 128>}, {pipeline_mode = #tpu.pipeline_mode<synchronous>, transform_indices = @transform_2, window_bounds = array<i64: 128, 128>}, {pipeline_mode = #tpu.pipeline_mode<synchronous>, transform_indices = @transform_3, window_bounds = array<i64: 1, 128>}, {pipeline_mode = #tpu.pipeline_mode<synchronous>, transform_indices = @transform_4, window_bounds = array<i64: 128, 128>}, {pipeline_mode = #tpu.pipeline_mode<synchronous>, transform_indices = @transform_5, window_bounds = array<i64: 128, 128>}, {pipeline_mode = #tpu.pipeline_mode<synchronous>, transform_indices = @transform_6, window_bounds = array<i64: 1, 128>}, {pipeline_mode = #tpu.pipeline_mode<synchronous>, transform_indices = @transform_7, window_bounds = array<i64: 128, 128>}, {pipeline_mode = #tpu.pipeline_mode<synchronous>, transform_indices = @transform_8, window_bounds = array<i64: 64, 128>}, {pipeline_mode = #tpu.pipeline_mode<synchronous>, transform_indices = @transform_9, window_bounds = array<i64: 1, 64>}, {transform_indices = @transform_10, window_bounds = array<i64: 1000, 64>}]} {
    %get3A = arith.constant 0 : index
    %get3A_0 = arith.constant 0 : index
    %get3A_1 = arith.constant 0 : index
    %get3A_2 = vector.load %arg1[%get3A, %get3A_0, %get3A_1] : memref<2x1000x128xf32, #tpu.memory_space<vmem>>, vector<1x1000x128xf32>
    %get3A_3 = vector.shape_cast %get3A_2 : vector<1x1000x128xf32> to vector<1000x128xf32>
    %get3A_4 = arith.constant 1 : index
    %get3A_5 = arith.constant 0 : index
    %get3A_6 = arith.constant 0 : index
    %get3A_7 = vector.load %arg1[%get3A_4, %get3A_5, %get3A_6] : memref<2x1000x128xf32, #tpu.memory_space<vmem>>, vector<1x1000x128xf32>
    %get3A_8 = vector.shape_cast %get3A_7 : vector<1x1000x128xf32> to vector<1000x128xf32>
    %add3A = arith.addf %get3A_3, %get3A_8 : vector<1000x128xf32>
    %get3A_9 = arith.constant 0 : index
    %get3A_10 = arith.constant 0 : index
    %get3A_11 = vector.load %arg2[%get3A_9, %get3A_10] : memref<1000x128xf32, #tpu.memory_space<vmem>>, vector<1000x128xf32>
    %get3A_12 = arith.constant 0 : index
    %get3A_13 = arith.constant 0 : index
    %get3A_14 = vector.load %arg3[%get3A_12, %get3A_13] : memref<128x128xf32, #tpu.memory_space<vmem>>, vector<128x128xf32>
    %transpose3A = tpu.transpose %get3A_14, [1, 0] : vector<128x128xf32> -> vector<128x128xf32>
    %dot_general3A = arith.constant dense<0.000000e+00> : vector<1000x128xf32>
    %dot_general3A_15 = tpu.matmul %add3A, %transpose3A, %dot_general3A {dimension_numbers = #tpu.dot_dimension_numbers<[1], [0], [0], [1], [0, 0, 1, 1], [], []>, transpose_lhs_hint = false} : vector<1000x128xf32>, vector<128x128xf32>, vector<1000x128xf32> -> vector<1000x128xf32>
    %get3A_16 = arith.constant 0 : index
    %get3A_17 = arith.constant 0 : index
    %get3A_18 = vector.load %arg4[%get3A_16, %get3A_17] : memref<1x128xf32, #tpu.memory_space<vmem>>, vector<1x128xf32>
    %get3A_19 = vector.shape_cast %get3A_18 : vector<1x128xf32> to vector<128xf32>
    %broadcast_in_dim3A = vector.shape_cast %get3A_19 : vector<128xf32> to vector<1x128xf32>
    %add3A_20 = vector.broadcast %broadcast_in_dim3A : vector<1x128xf32> to vector<1000x128xf32>
    %add3A_21 = arith.addf %dot_general3A_15, %add3A_20 : vector<1000x128xf32>
    %get3A_22 = arith.constant 0 : index
    %get3A_23 = arith.constant 0 : index
    %get3A_24 = vector.load %arg5[%get3A_22, %get3A_23] : memref<128x128xf32, #tpu.memory_space<vmem>>, vector<128x128xf32>
    %transpose3A_25 = tpu.transpose %get3A_24, [1, 0] : vector<128x128xf32> -> vector<128x128xf32>
    %dot_general3A_26 = arith.constant dense<0.000000e+00> : vector<1000x128xf32>
    %dot_general3A_27 = tpu.matmul %get3A_11, %transpose3A_25, %dot_general3A_26 {dimension_numbers = #tpu.dot_dimension_numbers<[1], [0], [0], [1], [0, 0, 1, 1], [], []>, transpose_lhs_hint = false} : vector<1000x128xf32>, vector<128x128xf32>, vector<1000x128xf32> -> vector<1000x128xf32>
    %add3A_28 = arith.addf %add3A_21, %dot_general3A_27 : vector<1000x128xf32>
    %max3A = arith.constant 0.000000e+00 : f32
    %max3A_29 = vector.broadcast %max3A : f32 to vector<1000x128xf32>
    %max3A_30 = arith.maximumf %add3A_28, %max3A_29 : vector<1000x128xf32>
    %get3A_31 = arith.constant 0 : index
    %get3A_32 = arith.constant 0 : index
    %get3A_33 = vector.load %arg6[%get3A_31, %get3A_32] : memref<128x128xf32, #tpu.memory_space<vmem>>, vector<128x128xf32>
    %transpose3A_34 = tpu.transpose %get3A_33, [1, 0] : vector<128x128xf32> -> vector<128x128xf32>
    %dot_general3A_35 = arith.constant dense<0.000000e+00> : vector<1000x128xf32>
    %dot_general3A_36 = tpu.matmul %add3A, %transpose3A_34, %dot_general3A_35 {dimension_numbers = #tpu.dot_dimension_numbers<[1], [0], [0], [1], [0, 0, 1, 1], [], []>, transpose_lhs_hint = false} : vector<1000x128xf32>, vector<128x128xf32>, vector<1000x128xf32> -> vector<1000x128xf32>
    %get3A_37 = arith.constant 0 : index
    %get3A_38 = arith.constant 0 : index
    %get3A_39 = vector.load %arg7[%get3A_37, %get3A_38] : memref<1x128xf32, #tpu.memory_space<vmem>>, vector<1x128xf32>
    %get3A_40 = vector.shape_cast %get3A_39 : vector<1x128xf32> to vector<128xf32>
    %broadcast_in_dim3A_41 = vector.shape_cast %get3A_40 : vector<128xf32> to vector<1x128xf32>
    %add3A_42 = vector.broadcast %broadcast_in_dim3A_41 : vector<1x128xf32> to vector<1000x128xf32>
    %add3A_43 = arith.addf %dot_general3A_36, %add3A_42 : vector<1000x128xf32>
    %get3A_44 = arith.constant 0 : index
    %get3A_45 = arith.constant 0 : index
    %get3A_46 = vector.load %arg8[%get3A_44, %get3A_45] : memref<128x128xf32, #tpu.memory_space<vmem>>, vector<128x128xf32>
    %transpose3A_47 = tpu.transpose %get3A_46, [1, 0] : vector<128x128xf32> -> vector<128x128xf32>
    %dot_general3A_48 = arith.constant dense<0.000000e+00> : vector<1000x128xf32>
    %dot_general3A_49 = tpu.matmul %max3A_30, %transpose3A_47, %dot_general3A_48 {dimension_numbers = #tpu.dot_dimension_numbers<[1], [0], [0], [1], [0, 0, 1, 1], [], []>, transpose_lhs_hint = false} : vector<1000x128xf32>, vector<128x128xf32>, vector<1000x128xf32> -> vector<1000x128xf32>
    %add3A_50 = arith.addf %add3A_43, %dot_general3A_49 : vector<1000x128xf32>
    %max3A_51 = arith.constant 0.000000e+00 : f32
    %max3A_52 = vector.broadcast %max3A_51 : f32 to vector<1000x128xf32>
    %max3A_53 = arith.maximumf %add3A_50, %max3A_52 : vector<1000x128xf32>
    %get3A_54 = arith.constant 0 : index
    %get3A_55 = arith.constant 0 : index
    %get3A_56 = vector.load %arg9[%get3A_54, %get3A_55] : memref<64x128xf32, #tpu.memory_space<vmem>>, vector<64x128xf32>
    %transpose3A_57 = tpu.transpose %get3A_56, [1, 0] : vector<64x128xf32> -> vector<128x64xf32>
    %dot_general3A_58 = arith.constant dense<0.000000e+00> : vector<1000x64xf32>
    %dot_general3A_59 = tpu.matmul %max3A_53, %transpose3A_57, %dot_general3A_58 {dimension_numbers = #tpu.dot_dimension_numbers<[1], [0], [0], [1], [0, 0, 1, 1], [], []>, transpose_lhs_hint = false} : vector<1000x128xf32>, vector<128x64xf32>, vector<1000x64xf32> -> vector<1000x64xf32>
    %get3A_60 = arith.constant 0 : index
    %get3A_61 = arith.constant 0 : index
    %get3A_62 = vector.load %arg10[%get3A_60, %get3A_61] : memref<1x64xf32, #tpu.memory_space<vmem>>, vector<1x64xf32>
    %get3A_63 = vector.shape_cast %get3A_62 : vector<1x64xf32> to vector<64xf32>
    %broadcast_in_dim3A_64 = vector.shape_cast %get3A_63 : vector<64xf32> to vector<1x64xf32>
    %add3A_65 = vector.broadcast %broadcast_in_dim3A_64 : vector<1x64xf32> to vector<1000x64xf32>
    %add3A_66 = arith.addf %dot_general3A_59, %add3A_65 : vector<1000x64xf32>
    %swap3A = arith.constant 0 : index
    %swap3A_67 = arith.constant 0 : index
    %swap3A_68 = vector.load %arg11[%swap3A, %swap3A_67] : memref<1000x64xf32, #tpu.memory_space<vmem>>, vector<1000x64xf32>
    tpu.vector_store %arg11[%swap3A, %swap3A_67], %add3A_66 {strides = array<i32>} : memref<1000x64xf32, #tpu.memory_space<vmem>>, vector<1000x64xf32>,
    return
  }
  func.func @transform_0(%arg0: i32) -> (i32, i32, i32) {
    %c0_i32 = arith.constant 0 : i32
    %c0_i32_0 = arith.constant 0 : i32
    %c0_i32_1 = arith.constant 0 : i32
    return %c0_i32, %arg0, %c0_i32_0 : i32, i32, i32
  }
  func.func @transform_1(%arg0: i32) -> (i32, i32) {
    %c0_i32 = arith.constant 0 : i32
    %c0_i32_0 = arith.constant 0 : i32
    return %arg0, %c0_i32 : i32, i32
  }
  func.func @transform_2(%arg0: i32) -> (i32, i32) {
    %c0_i32 = arith.constant 0 : i32
    %c0_i32_0 = arith.constant 0 : i32
    %c0_i32_1 = arith.constant 0 : i32
    return %c0_i32, %c0_i32_0 : i32, i32
  }
  func.func @transform_3(%arg0: i32) -> (i32, i32) {
    %c0_i32 = arith.constant 0 : i32
    %c0_i32_0 = arith.constant 0 : i32
    %c0_i32_1 = arith.constant 0 : i32
    return %c0_i32, %c0_i32_0 : i32, i32
  }
  func.func @transform_4(%arg0: i32) -> (i32, i32) {
    %c0_i32 = arith.constant 0 : i32
    %c0_i32_0 = arith.constant 0 : i32
    %c0_i32_1 = arith.constant 0 : i32
    return %c0_i32, %c0_i32_0 : i32, i32
  }
  func.func @transform_5(%arg0: i32) -> (i32, i32) {
    %c0_i32 = arith.constant 0 : i32
    %c0_i32_0 = arith.constant 0 : i32
    %c0_i32_1 = arith.constant 0 : i32
    return %c0_i32, %c0_i32_0 : i32, i32
  }
  func.func @transform_6(%arg0: i32) -> (i32, i32) {
    %c0_i32 = arith.constant 0 : i32
    %c0_i32_0 = arith.constant 0 : i32
    %c0_i32_1 = arith.constant 0 : i32
    return %c0_i32, %c0_i32_0 : i32, i32
  }
  func.func @transform_7(%arg0: i32) -> (i32, i32) {
    %c0_i32 = arith.constant 0 : i32
    %c0_i32_0 = arith.constant 0 : i32
    %c0_i32_1 = arith.constant 0 : i32
    return %c0_i32, %c0_i32_0 : i32, i32
  }
  func.func @transform_8(%arg0: i32) -> (i32, i32) {
    %c0_i32 = arith.constant 0 : i32
    %c0_i32_0 = arith.constant 0 : i32
    %c0_i32_1 = arith.constant 0 : i32
    return %c0_i32, %c0_i32_0 : i32, i32
  }
  func.func @transform_9(%arg0: i32) -> (i32, i32) {
    %c0_i32 = arith.constant 0 : i32
    %c0_i32_0 = arith.constant 0 : i32
    %c0_i32_1 = arith.constant 0 : i32
    return %c0_i32, %c0_i32_0 : i32, i32
  }
  func.func @transform_10(%arg0: i32) -> (i32, i32) {
    %c0_i32 = arith.constant 0 : i32
    %c0_i32_0 = arith.constant 0 : i32
    return %arg0, %c0_i32 : i32, i32
  }
}

</mosaic_0001>

<sc_bundles>
// kernel: kernel.6.cloned.1.call-start
scs
__scs_entry_jumppad:
0x0: {  	(pc) =	sbr.rel $0x88, $3  }
0x1: {  	(tag) =	ssettag $0x0;
	lr =	simm.s32 $0x1  }
0x2: {  	[smem:$0x3F8E] =	sst lr;
	_ =	strace $0xD0000000  }
0x3: {  	_ = 	snop  }
0x4: {  	_ = 	snop  }
0x5: {  	_ = 	snop  }
0x6: {  	_ = 	snop  }
0x7: {  	_ = 	snop  }
__scs_overlays_trampoline_lowered:
0x8: {  	[smem:$0x3F9D] =	sst s0  }
0x9: {  	[smem:$0x3F9E] =	sst s1  }
0xa: {  	[smem:$0x3F9F] =	sst s2  }
0xb: {  	[smem:$0x3FA0] =	sst s3  }
0xc: {  	[smem:$0x3FA1] =	sst s4  }
0xd: {  	[smem:$0x3FA2] =	sst s5  }
0xe: {  	[smem:$0x3FA3] =	sst s6  }
0xf: {  	[smem:$0x3FA4] =	sst s7  }
0x10: {  	[smem:$0x3FA5] =	sst s8  }
0x11: {  	[smem:$0x3FA6] =	sst s9;
	s0 =	simm.s32 @!p0 $0x0  }
0x12: {  	s1 =	sld [smem:$0x3F8C];
	s0 =	simm.s32 @p0 $0x1  }
0x13: {  	[smem:$0x3FA7] =	sst s0;
	s0 =	simm.s32 @!p1 $0x0  }
0x14: {  	s2 =	sld [smem:$0x3F8B];
	s0 =	simm.s32 @p1 $0x1  }
0x15: {  	[smem:$0x3FA8] =	sst s0;
	s0 =	simm.s32 @!p2 $0x0  }
0x16: {  	s3 =	sld [smem:$0x3FDB];
	s0 =	simm.s32 @p2 $0x1  }
0x17: {  	s4 =	simm.s32 $0x1BF5;
	[smem:$0x3FAA] =	sst s0  }
0x18: {  	s0 =	sld [smem:$0x3F8D];
	_ =	swait.ge [sflag:s4], $0x0  }
0x19: {  	s7 =	sld [smem:$0x3F8E]  }
0x1a: {  	s8 =	sadd.s32 $0xFFFFE003, lr  }
0x1b: {  	s9 =	sadd.s32 $0xFFFFFEF7, lr;
	s5 =	simm.s32 $0xFFFFFFFF;
	p2 =	slt.u32 s8, $0xFFFFF086  }
0x1c: {  	p1 =	slt.u32 s9, $0xF7A;
	s5 =	simm.s32 @!p2 $0x0  }
0x1d: {  	s5 =	simm.s32 @p1 $0x1;
	p0 =	seq.s32 s7, s2  }
0x1e: {  	s7 =	smul.u32 @!p0 $0xF7A, s2;
	p2 =	seq.s32 @!p0 s5, $0x0  }
0x1f: {  	s9 =	smul.u32 $0xF7A, s1;
	s8 =	simm.s32 @!p0 $0x1BF5;
	p2 =	por !p2, p0  }
0x20: {  	[sflag:s8] =	ssyncset.s32 @!p0 $0xFFFFF086;
	s6 =	sadd.s32 @!p0 s3, s7;
	s7 =	simm.s32 @!p0 $0x108  }
0x21: {  	s3 =	sadd.s32 s3, s9;
	s6 =	sadd.s32 @!p0 $0x88, s6;
	s7 =	simm.s32 @p2 $0x1082  }
0x22: {  	[simem:s7], [sflag:s8] =	dma.local @!p0 [hbm:s6], $0xF7A  }
0x23: {  	s9 =	sor.u32 $0xD0000000, s2;
	s6 =	simm.s32 $0x108;
	_ =	swait.ge @!p0 [sflag:s8], $0x0  }
0x24: {  	s3 =	sadd.s32 $0x88, s3;
	s6 =	simm.s32 @!p1 $0x1082;
	[sflag:s4] =	ssyncset.s32 $0xFFFFF086  }
0x25: {  	[simem:s6], [sflag:s4] =	dma.local [hbm:s3], $0xF7A  }
0x26: {  	[smem:$0x3F8E] =	sst s1;
	(tag) =	ssettag s2;
	_ =	strace s9  }
0x27: {  	s1 =	sld [smem:$0x3F9E]  }
0x28: {  	s2 =	sld [smem:$0x3F9F]  }
0x29: {  	s4 =	sld [smem:$0x3FA1]  }
0x2a: {  	p0 =	seq.s32 s5, $0x0;
	s5 =	sld [smem:$0x3FA2]  }
0x2b: {  	s6 =	sld [smem:$0x3FA3]  }
0x2c: {  	s7 =	sld [smem:$0x3FA4]  }
0x2d: {  	s3 =	simm.s32 $0x108;
	s8 =	sld [smem:$0x3FA5]  }
0x2e: {  	s3 =	simm.s32 @!p0 $0x1082;
	s9 =	sld [smem:$0x3FA6]  }
0x2f: {  	lr =	sadd.s32 s0, s3;
	s0 =	sld [smem:$0x3F9D]  }
0x30: {  	s3 =	sld [smem:$0x3FA0]  }
0x31: {  	[smem:$0x3FA9] =	sst s10  }
0x32: {  	s10 =	sld [smem:$0x3FA7];
	_ =	sdelay $0x3  }
0x33: {  	p0 =	seq.s32 s10, $0x1;
	s10 =	sld [smem:$0x3FA9];
	_ =	sdelay $0x3  }
0x34: {  	[smem:$0x3FA9] =	sst s10  }
0x35: {  	s10 =	sld [smem:$0x3FA8];
	_ =	sdelay $0x3  }
0x36: {  	p1 =	seq.s32 s10, $0x1;
	s10 =	sld [smem:$0x3FA9];
	_ =	sdelay $0x3  }
0x37: {  	[smem:$0x3FA9] =	sst s10  }
0x38: {  	s10 =	sld [smem:$0x3FAA]  }
0x39: {  	_ = 	snop;
	(pc) =	sbr.ind lr, $3  }
0x3a: {  	_ = 	snop  }
0x3b: {  	_ = 	snop  }
0x3c: {  	p2 =	seq.s32 s10, $0x1;
	s10 =	sld [smem:$0x3FA9]  }
0x3d: {  	_ =	shalt  }
0x3e: {  	_ =	shalt  }
0x3f: {  	_ =	shalt  }
0x40: {  	_ =	shalt  }
0x41: {  	_ =	shalt  }
0x42: {  	_ =	shalt  }
0x43: {  	_ =	shalt  }
0x44: {  	_ =	shalt  }
0x45: {  	_ =	shalt  }
0x46: {  	_ =	shalt  }
0x47: {  	_ =	shalt  }
0x48: {  	_ =	shalt  }
0x49: {  	_ =	shalt  }
0x4a: {  	_ =	shalt  }
0x4b: {  	_ =	shalt  }
0x4c: {  	_ =	shalt  }
0x4d: {  	_ =	shalt  }
0x4e: {  	_ =	shalt  }
0x4f: {  	_ =	shalt  }
0x50: {  	_ =	shalt  }
0x51: {  	_ =	shalt  }
0x52: {  	_ =	shalt  }
0x53: {  	_ =	shalt  }
0x54: {  	_ =	shalt  }
0x55: {  	_ =	shalt  }
0x56: {  	_ =	shalt  }
0x57: {  	_ =	shalt  }
0x58: {  	_ =	shalt  }
0x59: {  	_ =	shalt  }
0x5a: {  	_ =	shalt  }
0x5b: {  	_ =	shalt  }
0x5c: {  	_ =	shalt  }
0x5d: {  	_ =	shalt  }
0x5e: {  	_ =	shalt  }
0x5f: {  	_ =	shalt  }
0x60: {  	_ =	shalt  }
0x61: {  	_ =	shalt  }
0x62: {  	_ =	shalt  }
0x63: {  	_ =	shalt  }
0x64: {  	_ =	shalt  }
0x65: {  	_ =	shalt  }
0x66: {  	_ =	shalt  }
0x67: {  	_ =	shalt  }
0x68: {  	_ =	shalt  }
0x69: {  	_ =	shalt  }
0x6a: {  	_ =	shalt  }
0x6b: {  	_ =	shalt  }
0x6c: {  	_ =	shalt  }
0x6d: {  	_ =	shalt  }
0x6e: {  	_ =	shalt  }
0x6f: {  	_ =	shalt  }
0x70: {  	_ =	shalt  }
0x71: {  	_ =	shalt  }
0x72: {  	_ =	shalt  }
0x73: {  	_ =	shalt  }
0x74: {  	_ =	shalt  }
0x75: {  	_ =	shalt  }
0x76: {  	_ =	shalt  }
0x77: {  	_ =	shalt  }
0x78: {  	_ =	shalt  }
0x79: {  	_ =	shalt  }
0x7a: {  	_ =	shalt  }
0x7b: {  	_ =	shalt  }
0x7c: {  	_ =	shalt  }
0x7d: {  	_ =	shalt  }
0x7e: {  	_ =	shalt  }
0x7f: {  	_ =	shalt  }
0x80: {  	_ =	shalt  }
0x81: {  	_ =	shalt  }
0x82: {  	_ =	shalt  }
0x83: {  	_ =	shalt  }
0x84: {  	_ =	shalt  }
0x85: {  	_ =	shalt  }
0x86: {  	_ =	shalt  }
0x87: {  	_ =	shalt  }
.Lfunc_end0:
.L_simem_size_0:
called_computation_lowered:
.L_overlay_start_0:
0x88: {  	s2 =	sld [smem:$0x3FD9]  }
0x89: {  	s3 =	sld [smem:$0x3FFE];
	_ =	sdelay $0x1  }
0x8a: {  	s1 =	srdreg.scid  }
0x8b: {  	s0 =	sand.u32 $0x1, s1  }
0x8c: {  	s17 =	sshll.u32 s0, $0xA;
	s2 =	sadd.s32 s3, s2  }
0x8d: {  	s2 =	sadd.s32 s2, s17  }
0x8e: {  	[smem:$0x3FB5] =	sst s2  }
0x8f: {  	_ = 	snop  }
0x90: {  	s2 =	sld [smem:$0x3FD0];
	(tm) =	ssettm $0x1  }
0x91: {  	s18 =	sld [smem:$0x3FFB];
	_ =	sdelay $0x3  }
0x92: {  	_ =	strace s18  }
0x93: {  	s3 =	sld [smem:$0x3FFC];
	_ =	sdelay $0x3  }
0x94: {  	_ =	strace s3  }
0x95: {  	s3 =	sld [smem:$0x3FFD];
	_ =	sdelay $0x3  }
0x96: {  	_ =	strace s3  }
0x97: {  	_ =	strace $0x8FFFFFFF  }
0x98: {  	s19 =	sld [smem:$0x3FDB];
	_ =	sdelay $0x1  }
0x99: {  	s4 =	simm.s32 $_scs_section_size  }
0x9a: {  	s5 =	simm.s32 $_size__tile_overlayer_lowered;
	s6 =	simm.s32 $_tile_overlayer_lowered  }
0x9b: {  	s22 =	simm.s32 $0x1BFF;
	s21 =	sshll.u32 s6, $0x1;
	s3 =	sadd.s32 s4, s19  }
0x9c: {  	s7 =	simm.s32 $0x0;
	s20 =	sshll.u32 s5, $0x1;
	s5 =	sadd.s32 s21, s3  }
0x9d: {  	[timem:s7], [sflag:s22] =	dma.local [hbm:s5], s20  }
0x9e: {  	_ =	swait.ge [sflag:s22], s20  }
0x9f: {  	s4 =	ssub.s32 $0x0, s20;
	[sflag:s22] =	ssyncset.done $0x0  }
0xa0: {  	[sflag:s22] =	ssyncadd.s32 s4;
	_ =	sdelay $0x1  }
0xa1: {  	s23 =	simm.s32 $0x1B8B  }
0xa2: {  	_ =	swait.ge [sflag:s23], $0x1  }
0xa3: {  	[sflag:s23] =	ssyncset.done $0x0  }
0xa4: {  	s25 =	simm.s32 $0x1B8E;
	s24 =	sld [smem:$0x3FFE];
	[sflag:s23] =	ssyncadd.s32 $0xFFFFFFFF  }
0xa5: {  	s26 =	simm.s32 $execute0_lowered;
	[smem:$0x3FD2] =	sst s25  }
0xa6: {  	s5 =	sshll.u32 s26, $0x1;
	_ =	strace $0x80000046;
	[dreg:$0x1] =	wrdreg $0xFFFFFFFF  }
0xa7: {  	s28 =	simm.s32 $_size_execute0_lowered;
	s3 =	sadd.s32 s3, s5;
	[dreg:$0x0] =	wrdreg $0x0  }
0xa8: {  	s5 =	sshll.u32 s28, $0x1;
	[dreg:$0x2] =	wrdreg s3  }
0xa9: {  	[dreg:$0x3] =	wrdreg s5  }
0xaa: {  	[dreg:$0x4] =	wrdreg $0xC0  }
0xab: {  	_ =	task [dreg:s7], $0x5FFFF  }
0xac: {  	[dreg:$0x1] =	wrdreg $0xFFFFFFFF  }
0xad: {  	[dreg:$0x0] =	wrdreg $0x60  }
0xae: {  	[dreg:$0x2] =	wrdreg s24  }
0xaf: {  	[dreg:$0x3] =	wrdreg s2  }
0xb0: {  	[dreg:$0x4] =	wrdreg $0x8F000  }
0xb1: {  	[dreg:$0x5] =	wrdreg $0x9  }
0xb2: {  	_ =	task.clear_ibuf [dreg:s7], $0x6FFFF;
	_ =	strace $0x90000046  }
0xb3: {  	s29 =	simm.s32 $0x9;
	_ =	strace $0x80000048  }
0xb4: {  	_ =	swait.ge [sflag:s29], $0x1  }
0xb5: {  	[sflag:s29] =	ssyncadd.s32 $0xFFFFFFFF  }
0xb6: {  	_ =	strace $0x90000048  }
0xb7: {  	_ =	sfence  }
0xb8: {  	s30 =	sld [smem:$0x0];
	_ =	sdelay $0x2  }
0xb9: {  	s31 =	sshll.u32 s1, $0xD;
	s1 =	sshrl.u32 s1, $0x2  }
0xba: {  	s3 =	sand.u32 $0x4000, s31;
	s1 =	sadd.s32 s1, s30  }
0xbb: {  	s0 =	sor.u32 s3, s0;
	s1 =	sshll.u32 s1, $0x11  }
0xbc: {  	s0 =	sor.u32 s1, s0  }
0xbd: {  	s0 =	sadd.s32 $0x8F2B, s0  }
0xbe: {  	[sflag:s0] =	ssyncadd.remote.s32 $0x1  }
0xbf: {  	_ =	sfence.sel $0xFFFF  }
0xc0: {  	[dreg:$0x0] =	wrdreg $0xFFFFFFFF;
	(pc) =	sbr.abs _section_cstart, $3  }
0xc1: {  	[dreg:$0x1] =	wrdreg $0xFFFFFFFF  }
0xc2: {  	_ =	task.clear_ibuf [dreg:s7], $0x2FFFF;
	_ =	strace $0x9FFFFFFF  }
0xc3: {  	(tm) =	ssettm $0x7FFFFFFF  }
tec
execute0_lowered:
.L_overlay_start_1:
0x0: {  	(tag) =	ssettag $0x1  }
0x1: {  	s5 =	rddreg [dreg:$0x0]  }
0x2: {  	s7 =	rddreg [dreg:$0x1]  }
0x3: {  	s2 =	rddreg [dreg:$0x2]  }
0x4: {  	s0 =	rddreg [dreg:$0x3];
	s3 =	simm.s32 $0x0  }
0x5: {  	s1 =	stileid.u32;
	s4 =	srdreg.scid;
	s13 =	simm.s32 $0x6F00  }
0x6: {  	s14 =	simm.s32 $0x1;
	s15 =	simm.s32 $0x2;
	s16 =	simm.s32 $0x4E80  }
0x7: {  	s17 =	simm.s32 $0x4EC0;
	[smem:$0x7FF] =	sst s3;
	s18 =	smul.u32 $0x2800, s1  }
0x8: {  	s6 =	sand.u32 $0x1, s4;
	s4 =	sadd.s32 $0x3000, s5;
	s11 =	smul.u32 $0x50000, s1  }
0x9: {  	s12 =	sshll.u32 s1, $0x1;
	s31 =	sshll.u32 s1, $0x6;
	_ =	strace $0x80000047  }
0xa: {  	s9 =	smul.u32 $0x28000, s6;
	s10 =	ssub.s32 $0x2, s6;
	s6 =	sor.u32 s6, s12  }
0xb: {  	s12 =	simm.s32 $0x4F00;
	s8 =	sadd.s32 s18, s5;
	s26 =	sshrl.u32 s10, $0x1  }
0xc: {  	s28 =	sshrl.u32 s11, $0x2;
	s29 =	smul.u32 $0x9E0, s6;
	s6 =	sor.u32 $0x1C03, s31  }
0xd: {  	s11 =	simm.s32 $0x40;
	s9 =	sadd.s32 s9, s5;
	s10 =	ssub.s32 s10, s26  }
0xe: {  	s30 =	sadd.s32 s28, s2;
	s5 =	sadd.s32 $0x2A200, s8;
	s7 =	sadd.s32 s7, s29  }
0xf: {  	s19 =	sadd.s32 $0x52200, s9;
	s8 =	smax.u32 s10, $0x1;
	s9 =	sshrl.u32 s30, $0x3  }
0x10: {  	s10 =	simm.s32 $0x3;
	s18 =	sadd.s32 s18, s19;
	s19 =	simm.s32 $0x0  }
.LBB2_1:
0x11: {  	[spmem:s9], [sflag:s6] =	dma.local [hbm:s5], $0x2800  }
0x12: {  	_ =	swait.ge [sflag:s10], $0x2800  }
0x13: {  	[sflag:s10] =	ssyncset.done $0x0  }
0x14: {  	[sflag:s10] =	ssyncadd.s32 $0xFFFFD800  }
0x15: {  	[tilespmem:s3], [sflag:$0x3] =	stream.linear.gather [hbm4b:s7+s3], $0x4F00, $0x38;
	[tilespmem:$0x1CF00] =	vst v63  }
0x16: {  	_ =	swait.ge [sflag:s10], $0x4F00  }
0x17: {  	[sflag:s10] =	ssyncset.done $0x0  }
0x18: {  	[sflag:s10] =	ssyncadd.s32 $0xFFFFB100  }
0x19: {  	[bflag:$0x0] =	sbarrier.arrive $0xFFFF  }
0x1a: {  	[tilespmem:s12], [sflag:$0x1] =	stream.indirect.gather [hbm4b:s4+s11], $0x80, s3, s11, $0xb8;
	[tilespmem:$0x1CF00] =	vst v63  }
0x1b: {  	_ = 	snop  }
0x1c: {  	[tilespmem:s13], [sflag:$0x2] =	stream.indirect.gather [hbm4b:s4+s11], $0x80, s11, s11, $0xb8;
	[tilespmem:$0x1CF00] =	vst v63  }
0x1d: {  	_ =	swait.ge [sflag:s14], $0x2000  }
0x1e: {  	[sflag:s14] =	ssyncset.done $0x0  }
0x1f: {  	s20 =	simm.s32 $0x80;
	[sflag:s14] =	ssyncadd.s32 $0xFFFFE000  }
0x20: {  	[spmem:s2] =	stream.indirect.scatter.add.f32 [tilespmem:s12], [sflag:$0x3], $0x80, s20, s11, $0xb8;
	[tilespmem:$0x1CF00] =	vst v63  }
0x21: {  	_ =	swait.ge [sflag:s10], $0x2000  }
0x22: {  	[sflag:s10] =	ssyncset.done $0x0  }
0x23: {  	s30 =	simm.s32 $0x100;
	[sflag:s10] =	ssyncadd.s32 $0xFFFFE000  }
0x24: {  	[tilespmem:s12], [sflag:$0x1] =	stream.indirect.gather [hbm4b:s4+s11], $0x80, s30, s11, $0xb8;
	[tilespmem:$0x1CF00] =	vst v63  }
0x25: {  	_ =	swait.ge [sflag:s15], $0x2000  }
0x26: {  	[sflag:s15] =	ssyncset.done $0x0  }
0x27: {  	s31 =	simm.s32 $0xC0;
	[sflag:s15] =	ssyncadd.s32 $0xFFFFE000  }
0x28: {  	[spmem:s2] =	stream.indirect.scatter.add.f32 [tilespmem:s13], [sflag:$0x3], $0x80, s31, s11, $0xb8;
	[tilespmem:$0x1CF00] =	vst v63  }
0x29: {  	_ =	swait.ge [sflag:s10], $0x2000  }
0x2a: {  	[sflag:s10] =	ssyncset.done $0x0  }
0x2b: {  	s21 =	simm.s32 $0x140;
	s20 =	simm.s32 $0xFFFECC00;
	[sflag:s10] =	ssyncadd.s32 $0xFFFFE000  }
.LBB2_2:
0x2c: {  	[tilespmem:s13], [sflag:$0x2] =	stream.indirect.gather [hbm4b:s4+s11], $0x80, s21, s11, $0xb8;
	[tilespmem:$0x1CF00] =	vst v63  }
0x2d: {  	s21 =	smov.u32 s20  }
0x2e: {  	p0 =	sne.s32 s20, $0xFFFFFC00;
	s20 =	sadd.s32 $0x400, s20;
	_ =	swait.ge [sflag:s14], $0x2000  }
0x2f: {  	s21 =	sshra.s32 s21, $0x2;
	[sflag:s14] =	ssyncset.done $0x0  }
0x30: {  	s22 =	sadd.s32 $0x4E80, s21;
	[sflag:s14] =	ssyncadd.s32 $0xFFFFE000  }
0x31: {  	[spmem:s2] =	stream.indirect.scatter.add.f32 [tilespmem:s12], [sflag:$0x3], $0x80, s22, s11, $0xb8;
	[tilespmem:$0x1CF00] =	vst v63  }
0x32: {  	_ =	swait.ge [sflag:s10], $0x2000  }
0x33: {  	[sflag:s10] =	ssyncset.done $0x0  }
0x34: {  	s22 =	sadd.s32 $0x4F00, s21;
	[sflag:s10] =	ssyncadd.s32 $0xFFFFE000  }
0x35: {  	[tilespmem:s12], [sflag:$0x1] =	stream.indirect.gather [hbm4b:s4+s11], $0x80, s22, s11, $0xb8;
	[tilespmem:$0x1CF00] =	vst v63  }
0x36: {  	_ =	swait.ge [sflag:s15], $0x2000  }
0x37: {  	[sflag:s15] =	ssyncset.done $0x0  }
.Ltmp0:
0x38: {  	s22 =	sadd.s32 $0x4EC0, s21;
	[sflag:s15] =	ssyncadd.s32 $0xFFFFE000;
	(pc) =	sbr.rel @p0 .LBB2_2-.Ltmp0, $4  }
0x39: {  	[spmem:s2] =	stream.indirect.scatter.add.f32 [tilespmem:s13], [sflag:$0x3], $0x80, s22, s11, $0xb8;
	[tilespmem:$0x1CF00] =	vst v63  }
0x3a: {  	_ =	swait.ge [sflag:s10], $0x2000  }
0x3b: {  	[sflag:s10] =	ssyncset.done $0x0  }
0x3c: {  	s21 =	sadd.s32 $0x4F40, s21;
	[sflag:s10] =	ssyncadd.s32 $0xFFFFE000  }
0x3d: {  	[tilespmem:s13], [sflag:$0x2] =	stream.indirect.gather [hbm4b:s4+s11], $0x80, s21, s11, $0xb8;
	[tilespmem:$0x1CF00] =	vst v63  }
0x3e: {  	_ =	swait.ge [sflag:s14], $0x2000  }
0x3f: {  	[sflag:s14] =	ssyncset.done $0x0  }
0x40: {  	[sflag:s14] =	ssyncadd.s32 $0xFFFFE000  }
0x41: {  	[spmem:s2] =	stream.indirect.scatter.add.f32 [tilespmem:s12], [sflag:$0x3], $0x80, s16, s11, $0xb8;
	[tilespmem:$0x1CF00] =	vst v63  }
0x42: {  	_ =	swait.ge [sflag:s10], $0x2000  }
0x43: {  	[sflag:s10] =	ssyncset.done $0x0  }
0x44: {  	[sflag:s10] =	ssyncadd.s32 $0xFFFFE000  }
0x45: {  	_ =	swait.ge [sflag:s15], $0x2000  }
0x46: {  	[sflag:s15] =	ssyncset.done $0x0  }
0x47: {  	[sflag:s15] =	ssyncadd.s32 $0xFFFFE000  }
0x48: {  	[spmem:s2] =	stream.indirect.scatter.add.f32 [tilespmem:s13], [sflag:$0x3], $0x80, s17, s11, $0xb8;
	[tilespmem:$0x1CF00] =	vst v63  }
0x49: {  	_ =	swait.ge [sflag:s10], $0x2000  }
0x4a: {  	s19 =	sadd.s32 $0x1, s19;
	[sflag:s10] =	ssyncset.done $0x0  }
0x4b: {  	p0 =	sne.s32 s19, s8;
	[sflag:s10] =	ssyncadd.s32 $0xFFFFE000  }
.Ltmp1:
0x4c: {  	[bflag:$0x0] =	sbarrier.arrive $0xFFFF;
	(pc) =	sbr.rel @p0 .LBB2_1-.Ltmp1, $4  }
0x4d: {  	[hbm:s18], [sflag:s6] =	dma.local [spmem:s9], $0x2800  }
0x4e: {  	_ =	swait.ge [sflag:s10], $0x2800  }
0x4f: {  	[sflag:s10] =	ssyncset.done $0x0  }
0x50: {  	[sflag:s10] =	ssyncadd.s32 $0xFFFFD800  }
0x51: {  	_ =	sfence.sel $0x180000  }
0x52: {  	[bflag:$0x0] =	sbarrier.arrive $0xFFFF  }
0x53: {  	p0 =	sne.s32 s1, $0x0;
	_ =	strace $0x90000047  }
0x54: {  	s0 =	sadd.s32 @!p0 $0x100000, s0;
	[bflag:$0x2] =	sbarrier.arrive $0xFFFF  }
0x55: {  	[sflag:s0] =	ssyncadd.tile.s32 @!p0 $0x1;
	_ =	shalt  }
.Lfunc_end2:
_tile_overlayer_lowered:
.L_overlay_start_2:
0x56: {  	(tag) =	ssettag $0x2  }
0x57: {  	s0 =	rddreg [dreg:$0x0];
	s2 =	stileid.u32  }
0x58: {  	s1 =	rddreg [dreg:$0x1];
	p0 =	sne.s32 s2, $0x0  }
0x59: {  	s3 =	rddreg [dreg:$0x2];
	[bflag:$0x3] =	sbarrier.arrive $0xFFFF;
	s2 =	simm.s32 @!p0 $0x1C03  }
0x5a: {  	[timem:s3], [sflag:s2] =	dma.local @!p0 [hbm:s0], s1  }
0x5b: {  	s0 =	simm.s32 @!p0 $0x3  }
0x5c: {  	_ =	swait.ge @!p0 [sflag:s0], s1  }
0x5d: {  	s1 =	ssub.s32 @!p0 $0x0, s1;
	[sflag:s0] =	ssyncset.done @!p0 $0x0  }
0x5e: {  	[sflag:s0] =	ssyncadd.s32 @!p0 s1  }
0x5f: {  	[bflag:$0x3] =	sbarrier.arrive $0xFFFF  }
0x60: {  	_ =	shalt  }

</sc_bundles>
